<compile_context>
chip_gen: v7x
topology: tpu7x:2x2x1
jax: 0.10.2.dev20260603
libtpu: 0.0.44.dev20260713+nightly
codegen_flags: <defaults>
</compile_context>

<pallas_src>
import functools

import jax
import jax.numpy as jnp
from jax import lax
from jax.experimental import pallas as pl
from jax.experimental.pallas import tpu as pltpu
from jax.experimental.pallas import tpu_sc as plsc

D_MODEL = 128
NUM_CORES = 2
NUM_SUBCORES = 16
NUM_WORKERS = NUM_CORES * NUM_SUBCORES
CHUNK = 128
NBUF = 4
LAG = 2


@functools.partial(jax.jit, static_argnums=(2,))
def _gather_rows(pe, idx_flat, n_rows):
    bpw = n_rows // NUM_WORKERS
    n_chunks = bpw // CHUNK
    assert n_rows % NUM_WORKERS == 0 and bpw % CHUNK == 0
    assert n_chunks % NBUF == 0 and n_chunks >= 2 * NBUF

    mesh = plsc.VectorSubcoreMesh(core_axis_name="c", subcore_axis_name="s")

    @functools.partial(
        pl.kernel,
        mesh=mesh,
        out_type=jax.ShapeDtypeStruct((n_rows, D_MODEL), jnp.float32),
        scratch_types=[
            pltpu.VMEM((bpw,), jnp.int32),
        ]
        + [pltpu.VMEM((CHUNK, D_MODEL), jnp.float32) for _ in range(NBUF)]
        + [pltpu.SemaphoreType.DMA for _ in range(2 * NBUF)],
    )
    def gather_kernel(pe_hbm, idx_hbm, out_hbm, idx_v, *bufs_and_sems):
        rows = bufs_and_sems[:NBUF]
        gsem = bufs_and_sems[NBUF:2 * NBUF]
        osem = bufs_and_sems[2 * NBUF:]

        wid = lax.axis_index("s") * NUM_CORES + lax.axis_index("c")
        base = wid * bpw
        pltpu.sync_copy(idx_hbm.at[pl.ds(base, bpw)], idx_v)

        def gather_copy(j, b):
            return pltpu.make_async_copy(
                pe_hbm.at[idx_v.at[pl.ds(j * CHUNK, CHUNK)]], rows[b], gsem[b])

        def out_copy(j, b):
            return pltpu.make_async_copy(
                rows[b], out_hbm.at[pl.ds(base + j * CHUNK, CHUNK)], osem[b])

        for j in range(NBUF):
            gather_copy(j, j).start()
            if j >= LAG:
                jo = j - LAG
                gather_copy(jo, jo).wait()
                out_copy(jo, jo).start()

        def body(i, carry):
            for b in range(NBUF):
                j = NBUF + i * NBUF + b
                bo = (b + NBUF - LAG) % NBUF
                out_copy(j - NBUF, b).wait()
                gather_copy(j, b).start()
                gather_copy(j - LAG, bo).wait()
                out_copy(j - LAG, bo).start()
            return carry

        lax.fori_loop(0, n_chunks // NBUF - 1, body, 0)

        for j in range(n_chunks - LAG, n_chunks):
            b = j % NBUF
            gather_copy(j, b).wait()
            out_copy(j, b).start()
        for j in range(n_chunks - NBUF, n_chunks):
            out_copy(j, j % NBUF).wait()

    return gather_kernel(pe, idx_flat)


def kernel(t, pe):
    b, s = t.shape
    idx_t = jnp.swapaxes(t, 0, 1).reshape(-1)
    out = _gather_rows(pe, idx_t, b * s)
    return out.reshape(s, b, D_MODEL).transpose(1, 0, 2)

# --- scband reference (transcript-rebuilt; emitter-appended) ---
"""Pipeline reference for scband-temporal-encoding-57896159150342 (READ-ONLY COPY).

The authoritative reference and input builder live on the scoring server;
editing this copy changes nothing except your own understanding.
"""

import jax, jax.numpy as jnp
import numpy as np
import math

TIMESTEPS = 100000
D_MODEL = 128

def calc_embedding(timesteps, d_model):
    positions = jnp.arange(0, timesteps, dtype=jnp.float32)[:, None]
    div_term = jnp.exp(jnp.arange(0, d_model, 2).astype(jnp.float32) * (-math.log(10000.0) / d_model))
    pe = jnp.zeros((timesteps, d_model), dtype=jnp.float32)
    pe = pe.at[:, 0::2].set(jnp.sin(positions * div_term))
    pe = pe.at[:, 1::2].set(jnp.cos(positions * div_term))
    return pe

def setup_inputs(seed: int = 0) -> dict:
    key = jax.random.key(seed)
    t = jax.random.randint(key, (16384, 50), 0, TIMESTEPS, dtype=jnp.int32)
    pe = calc_embedding(TIMESTEPS, D_MODEL)
    return {"t": t, "pe": pe}

def reference(t, pe):
    # forward: self.pe[t]
    return jnp.take(pe, t, axis=0)

if __name__ == "__main__":
    import jax
    _d = setup_inputs()
    print(jax.jit(kernel)(*tuple(_d.values())))

</pallas_src>

<mosaic_0001>
#map = affine_map<(d0, d1) -> (0, 0)>
#map1 = affine_map<(d0, d1) -> (0)>
module attributes {stable_mosaic.version = 14 : i64} {
  func.func @gather_kernel(%arg0: i32, %arg1: i32, %arg2: memref<100000x128xf32, #tpu.memory_space<hbm>>, %arg3: memref<819200xi32, #tpu.memory_space<hbm>>, %arg4: memref<819200x128xf32, #tpu.memory_space<hbm>>, %arg5: memref<25600xi32, #tpu.memory_space<vmem>>, %arg6: memref<128x128xf32, #tpu.memory_space<vmem>>, %arg7: memref<128x128xf32, #tpu.memory_space<vmem>>, %arg8: memref<128x128xf32, #tpu.memory_space<vmem>>, %arg9: memref<128x128xf32, #tpu.memory_space<vmem>>, %arg10: memref<!tpu.dma_semaphore, #tpu.memory_space<semaphore_mem>>, %arg11: memref<!tpu.dma_semaphore, #tpu.memory_space<semaphore_mem>>, %arg12: memref<!tpu.dma_semaphore, #tpu.memory_space<semaphore_mem>>, %arg13: memref<!tpu.dma_semaphore, #tpu.memory_space<semaphore_mem>>, %arg14: memref<!tpu.dma_semaphore, #tpu.memory_space<semaphore_mem>>, %arg15: memref<!tpu.dma_semaphore, #tpu.memory_space<semaphore_mem>>, %arg16: memref<!tpu.dma_semaphore, #tpu.memory_space<semaphore_mem>>, %arg17: memref<!tpu.dma_semaphore, #tpu.memory_space<semaphore_mem>>) attributes {dimension_semantics = [#tpu.dimension_semantics<core_parallel>, #tpu.dimension_semantics<subcore_parallel>], iteration_bounds = array<i64: 2, 16>, scalar_prefetch = 0 : i64, scratch_operands = 13 : i64, tpu.core_type = #tpu.core_type<sc_vector_subcore>, window_params = [{transform_indices = #map}, {transform_indices = #map1}, {transform_indices = #map}]} {
    %mul3A = arith.constant 2 : i32
    %mul3A_0 = arith.muli %arg1, %mul3A : i32
    %add3A = arith.addi %mul3A_0, %arg0 : i32
    %mul3A_1 = arith.constant 25600 : i32
    %mul3A_2 = arith.muli %add3A, %mul3A_1 : i32
    "tpu.region"() ({
      %run_scoped3A = tpu.sem_alloc : memref<!tpu.dma_semaphore, #tpu.memory_space<semaphore_mem>>
      %dma_start3A_94 = tpu.memref_slice %arg3[%mul3A_2] : memref<819200xi32, #tpu.memory_space<hbm>> -> memref<25600xi32, #tpu.memory_space<hbm>>
      %dma_start3A_95 = tpu.memref_slice %arg3[%mul3A_2] : memref<819200xi32, #tpu.memory_space<hbm>> -> memref<25600xi32, #tpu.memory_space<hbm>>
      tpu.enqueue_dma source(%dma_start3A_95 : memref<25600xi32, #tpu.memory_space<hbm>>) target(%arg5 : memref<25600xi32, #tpu.memory_space<vmem>>) target_semaphore(%run_scoped3A : memref<!tpu.dma_semaphore, #tpu.memory_space<semaphore_mem>>)
      %dma_wait3A_96 = tpu.memref_slice %arg3[%mul3A_2] : memref<819200xi32, #tpu.memory_space<hbm>> -> memref<25600xi32, #tpu.memory_space<hbm>>
      %dma_wait3A_97 = tpu.memref_slice %arg3[%mul3A_2] : memref<819200xi32, #tpu.memory_space<hbm>> -> memref<25600xi32, #tpu.memory_space<hbm>>
      tpu.wait_dma2 semaphore(%run_scoped3A : memref<!tpu.dma_semaphore, #tpu.memory_space<semaphore_mem>>) src(%dma_wait3A_97 : memref<25600xi32, #tpu.memory_space<hbm>>) dst(%arg5 : memref<25600xi32, #tpu.memory_space<vmem>>)
      tpu.yield
    }) : () -> ()
    %dma_start3A = arith.constant 0 : i32
    %dma_start3A_3 = tpu.memref_slice %arg5[%dma_start3A] : memref<25600xi32, #tpu.memory_space<vmem>> -> memref<128xi32, #tpu.memory_space<vmem>>
    %dma_start3A_4 = arith.constant 0 : i32
    %dma_start3A_5 = arith.constant 0 : i32
    %dma_start3A_6 = tpu.memref_slice %arg2[%dma_start3A_4, %dma_start3A_5] : memref<100000x128xf32, #tpu.memory_space<hbm>> -> memref<100000x128xf32, #tpu.memory_space<hbm>>
    tpu.enqueue_indirect_dma source(%dma_start3A_6 : memref<100000x128xf32, #tpu.memory_space<hbm>>) target(%arg6 : memref<128x128xf32, #tpu.memory_space<vmem>>) offsets(%dma_start3A_3 : memref<128xi32, #tpu.memory_space<vmem>>) semaphore(%arg10 : memref<!tpu.dma_semaphore, #tpu.memory_space<semaphore_mem>>)
    %dma_start3A_7 = arith.constant 128 : i32
    %dma_start3A_8 = tpu.memref_slice %arg5[%dma_start3A_7] : memref<25600xi32, #tpu.memory_space<vmem>> -> memref<128xi32, #tpu.memory_space<vmem>>
    %dma_start3A_9 = arith.constant 0 : i32
    %dma_start3A_10 = arith.constant 0 : i32
    %dma_start3A_11 = tpu.memref_slice %arg2[%dma_start3A_9, %dma_start3A_10] : memref<100000x128xf32, #tpu.memory_space<hbm>> -> memref<100000x128xf32, #tpu.memory_space<hbm>>
    tpu.enqueue_indirect_dma source(%dma_start3A_11 : memref<100000x128xf32, #tpu.memory_space<hbm>>) target(%arg7 : memref<128x128xf32, #tpu.memory_space<vmem>>) offsets(%dma_start3A_8 : memref<128xi32, #tpu.memory_space<vmem>>) semaphore(%arg11 : memref<!tpu.dma_semaphore, #tpu.memory_space<semaphore_mem>>)
    %dma_start3A_12 = arith.constant 256 : i32
    %dma_start3A_13 = tpu.memref_slice %arg5[%dma_start3A_12] : memref<25600xi32, #tpu.memory_space<vmem>> -> memref<128xi32, #tpu.memory_space<vmem>>
    %dma_start3A_14 = arith.constant 0 : i32
    %dma_start3A_15 = arith.constant 0 : i32
    %dma_start3A_16 = tpu.memref_slice %arg2[%dma_start3A_14, %dma_start3A_15] : memref<100000x128xf32, #tpu.memory_space<hbm>> -> memref<100000x128xf32, #tpu.memory_space<hbm>>
    tpu.enqueue_indirect_dma source(%dma_start3A_16 : memref<100000x128xf32, #tpu.memory_space<hbm>>) target(%arg8 : memref<128x128xf32, #tpu.memory_space<vmem>>) offsets(%dma_start3A_13 : memref<128xi32, #tpu.memory_space<vmem>>) semaphore(%arg12 : memref<!tpu.dma_semaphore, #tpu.memory_space<semaphore_mem>>)
    %dma_wait3A = arith.constant 0 : i32
    %dma_wait3A_17 = tpu.memref_slice %arg5[%dma_wait3A] : memref<25600xi32, #tpu.memory_space<vmem>> -> memref<128xi32, #tpu.memory_space<vmem>>
    %dma_wait3A_18 = arith.constant 0 : i32
    %dma_wait3A_19 = arith.constant 0 : i32
    %dma_wait3A_20 = tpu.memref_slice %arg2[%dma_wait3A_18, %dma_wait3A_19] : memref<100000x128xf32, #tpu.memory_space<hbm>> -> memref<100000x128xf32, #tpu.memory_space<hbm>>
    tpu.wait_indirect_dma semaphore(%arg10 : memref<!tpu.dma_semaphore, #tpu.memory_space<semaphore_mem>>) src(%dma_wait3A_20 : memref<100000x128xf32, #tpu.memory_space<hbm>>) dst(%arg6 : memref<128x128xf32, #tpu.memory_space<vmem>>)
    %add3A_21 = arith.constant 0 : i32
    %add3A_22 = arith.addi %mul3A_2, %add3A_21 : i32
    %dma_start3A_23 = arith.constant 0 : i32
    %dma_start3A_24 = tpu.memref_slice %arg4[%add3A_22, %dma_start3A_23] : memref<819200x128xf32, #tpu.memory_space<hbm>> -> memref<128x128xf32, #tpu.memory_space<hbm>>
    %dma_start3A_25 = arith.constant 0 : i32
    %dma_start3A_26 = tpu.memref_slice %arg4[%add3A_22, %dma_start3A_25] : memref<819200x128xf32, #tpu.memory_space<hbm>> -> memref<128x128xf32, #tpu.memory_space<hbm>>
    tpu.enqueue_dma source(%arg6 : memref<128x128xf32, #tpu.memory_space<vmem>>) target(%dma_start3A_26 : memref<128x128xf32, #tpu.memory_space<hbm>>) target_semaphore(%arg14 : memref<!tpu.dma_semaphore, #tpu.memory_space<semaphore_mem>>)
    %dma_start3A_27 = arith.constant 384 : i32
    %dma_start3A_28 = tpu.memref_slice %arg5[%dma_start3A_27] : memref<25600xi32, #tpu.memory_space<vmem>> -> memref<128xi32, #tpu.memory_space<vmem>>
    %dma_start3A_29 = arith.constant 0 : i32
    %dma_start3A_30 = arith.constant 0 : i32
    %dma_start3A_31 = tpu.memref_slice %arg2[%dma_start3A_29, %dma_start3A_30] : memref<100000x128xf32, #tpu.memory_space<hbm>> -> memref<100000x128xf32, #tpu.memory_space<hbm>>
    tpu.enqueue_indirect_dma source(%dma_start3A_31 : memref<100000x128xf32, #tpu.memory_space<hbm>>) target(%arg9 : memref<128x128xf32, #tpu.memory_space<vmem>>) offsets(%dma_start3A_28 : memref<128xi32, #tpu.memory_space<vmem>>) semaphore(%arg13 : memref<!tpu.dma_semaphore, #tpu.memory_space<semaphore_mem>>)
    %dma_wait3A_32 = arith.constant 128 : i32
    %dma_wait3A_33 = tpu.memref_slice %arg5[%dma_wait3A_32] : memref<25600xi32, #tpu.memory_space<vmem>> -> memref<128xi32, #tpu.memory_space<vmem>>
    %dma_wait3A_34 = arith.constant 0 : i32
    %dma_wait3A_35 = arith.constant 0 : i32
    %dma_wait3A_36 = tpu.memref_slice %arg2[%dma_wait3A_34, %dma_wait3A_35] : memref<100000x128xf32, #tpu.memory_space<hbm>> -> memref<100000x128xf32, #tpu.memory_space<hbm>>
    tpu.wait_indirect_dma semaphore(%arg11 : memref<!tpu.dma_semaphore, #tpu.memory_space<semaphore_mem>>) src(%dma_wait3A_36 : memref<100000x128xf32, #tpu.memory_space<hbm>>) dst(%arg7 : memref<128x128xf32, #tpu.memory_space<vmem>>)
    %add3A_37 = arith.constant 128 : i32
    %add3A_38 = arith.addi %mul3A_2, %add3A_37 : i32
    %dma_start3A_39 = arith.constant 0 : i32
    %dma_start3A_40 = tpu.memref_slice %arg4[%add3A_38, %dma_start3A_39] : memref<819200x128xf32, #tpu.memory_space<hbm>> -> memref<128x128xf32, #tpu.memory_space<hbm>>
    %dma_start3A_41 = arith.constant 0 : i32
    %dma_start3A_42 = tpu.memref_slice %arg4[%add3A_38, %dma_start3A_41] : memref<819200x128xf32, #tpu.memory_space<hbm>> -> memref<128x128xf32, #tpu.memory_space<hbm>>
    tpu.enqueue_dma source(%arg7 : memref<128x128xf32, #tpu.memory_space<vmem>>) target(%dma_start3A_42 : memref<128x128xf32, #tpu.memory_space<hbm>>) target_semaphore(%arg15 : memref<!tpu.dma_semaphore, #tpu.memory_space<semaphore_mem>>)
    %scan3A = arith.constant 0 : i32
    %scan3A_43 = arith.constant 0 : i32
    %scan3A_44 = arith.constant 49 : i32
    %scan3A_45 = arith.addi %scan3A_43, %scan3A_44 : i32
    %scan3A_46 = arith.constant 1 : i32
    scf.for %scan3A_94 = %scan3A_43 to %scan3A_45 step %scan3A_46  : i32 {
      %mul3A_95 = arith.constant 4 : i32
      %mul3A_96 = arith.muli %scan3A_94, %mul3A_95 : i32
      %add3A_97 = arith.constant 4 : i32
      %add3A_98 = arith.addi %add3A_97, %mul3A_96 : i32
      %add3A_99 = arith.constant 0 : i32
      %add3A_100 = arith.addi %add3A_98, %add3A_99 : i32
      %sub3A = arith.constant 4 : i32
      %sub3A_101 = arith.subi %add3A_100, %sub3A : i32
      %mul3A_102 = arith.constant 128 : i32
      %mul3A_103 = arith.muli %sub3A_101, %mul3A_102 : i32
      %add3A_104 = arith.addi %mul3A_2, %mul3A_103 : i32
      %dma_wait3A_105 = arith.constant 0 : i32
      %dma_wait3A_106 = tpu.memref_slice %arg4[%add3A_104, %dma_wait3A_105] : memref<819200x128xf32, #tpu.memory_space<hbm>> -> memref<128x128xf32, #tpu.memory_space<hbm>>
      %dma_wait3A_107 = arith.constant 0 : i32
      %dma_wait3A_108 = tpu.memref_slice %arg4[%add3A_104, %dma_wait3A_107] : memref<819200x128xf32, #tpu.memory_space<hbm>> -> memref<128x128xf32, #tpu.memory_space<hbm>>
      tpu.wait_dma2 semaphore(%arg14 : memref<!tpu.dma_semaphore, #tpu.memory_space<semaphore_mem>>) src(%arg6 : memref<128x128xf32, #tpu.memory_space<vmem>>) dst(%dma_wait3A_108 : memref<128x128xf32, #tpu.memory_space<hbm>>)
      %mul3A_109 = arith.constant 128 : i32
      %mul3A_110 = arith.muli %add3A_100, %mul3A_109 : i32
      %dma_start3A_111 = tpu.memref_slice %arg5[%mul3A_110] : memref<25600xi32, #tpu.memory_space<vmem>> -> memref<128xi32, #tpu.memory_space<vmem>>
      %dma_start3A_112 = arith.constant 0 : i32
      %dma_start3A_113 = arith.constant 0 : i32
      %dma_start3A_114 = tpu.memref_slice %arg2[%dma_start3A_112, %dma_start3A_113] : memref<100000x128xf32, #tpu.memory_space<hbm>> -> memref<100000x128xf32, #tpu.memory_space<hbm>>
      tpu.enqueue_indirect_dma source(%dma_start3A_114 : memref<100000x128xf32, #tpu.memory_space<hbm>>) target(%arg6 : memref<128x128xf32, #tpu.memory_space<vmem>>) offsets(%dma_start3A_111 : memref<128xi32, #tpu.memory_space<vmem>>) semaphore(%arg10 : memref<!tpu.dma_semaphore, #tpu.memory_space<semaphore_mem>>)
      %sub3A_115 = arith.constant 2 : i32
      %sub3A_116 = arith.subi %add3A_100, %sub3A_115 : i32
      %mul3A_117 = arith.constant 128 : i32
      %mul3A_118 = arith.muli %sub3A_116, %mul3A_117 : i32
      %dma_wait3A_119 = tpu.memref_slice %arg5[%mul3A_118] : memref<25600xi32, #tpu.memory_space<vmem>> -> memref<128xi32, #tpu.memory_space<vmem>>
      %dma_wait3A_120 = arith.constant 0 : i32
      %dma_wait3A_121 = arith.constant 0 : i32
      %dma_wait3A_122 = tpu.memref_slice %arg2[%dma_wait3A_120, %dma_wait3A_121] : memref<100000x128xf32, #tpu.memory_space<hbm>> -> memref<100000x128xf32, #tpu.memory_space<hbm>>
      tpu.wait_indirect_dma semaphore(%arg12 : memref<!tpu.dma_semaphore, #tpu.memory_space<semaphore_mem>>) src(%dma_wait3A_122 : memref<100000x128xf32, #tpu.memory_space<hbm>>) dst(%arg8 : memref<128x128xf32, #tpu.memory_space<vmem>>)
      %sub3A_123 = arith.constant 2 : i32
      %sub3A_124 = arith.subi %add3A_100, %sub3A_123 : i32
      %mul3A_125 = arith.constant 128 : i32
      %mul3A_126 = arith.muli %sub3A_124, %mul3A_125 : i32
      %add3A_127 = arith.addi %mul3A_2, %mul3A_126 : i32
      %dma_start3A_128 = arith.constant 0 : i32
      %dma_start3A_129 = tpu.memref_slice %arg4[%add3A_127, %dma_start3A_128] : memref<819200x128xf32, #tpu.memory_space<hbm>> -> memref<128x128xf32, #tpu.memory_space<hbm>>
      %dma_start3A_130 = arith.constant 0 : i32
      %dma_start3A_131 = tpu.memref_slice %arg4[%add3A_127, %dma_start3A_130] : memref<819200x128xf32, #tpu.memory_space<hbm>> -> memref<128x128xf32, #tpu.memory_space<hbm>>
      tpu.enqueue_dma source(%arg8 : memref<128x128xf32, #tpu.memory_space<vmem>>) target(%dma_start3A_131 : memref<128x128xf32, #tpu.memory_space<hbm>>) target_semaphore(%arg16 : memref<!tpu.dma_semaphore, #tpu.memory_space<semaphore_mem>>)
      %mul3A_132 = arith.constant 4 : i32
      %mul3A_133 = arith.muli %scan3A_94, %mul3A_132 : i32
      %add3A_134 = arith.constant 4 : i32
      %add3A_135 = arith.addi %add3A_134, %mul3A_133 : i32
      %add3A_136 = arith.constant 1 : i32
      %add3A_137 = arith.addi %add3A_135, %add3A_136 : i32
      %sub3A_138 = arith.constant 4 : i32
      %sub3A_139 = arith.subi %add3A_137, %sub3A_138 : i32
      %mul3A_140 = arith.constant 128 : i32
      %mul3A_141 = arith.muli %sub3A_139, %mul3A_140 : i32
      %add3A_142 = arith.addi %mul3A_2, %mul3A_141 : i32
      %dma_wait3A_143 = arith.constant 0 : i32
      %dma_wait3A_144 = tpu.memref_slice %arg4[%add3A_142, %dma_wait3A_143] : memref<819200x128xf32, #tpu.memory_space<hbm>> -> memref<128x128xf32, #tpu.memory_space<hbm>>
      %dma_wait3A_145 = arith.constant 0 : i32
      %dma_wait3A_146 = tpu.memref_slice %arg4[%add3A_142, %dma_wait3A_145] : memref<819200x128xf32, #tpu.memory_space<hbm>> -> memref<128x128xf32, #tpu.memory_space<hbm>>
      tpu.wait_dma2 semaphore(%arg15 : memref<!tpu.dma_semaphore, #tpu.memory_space<semaphore_mem>>) src(%arg7 : memref<128x128xf32, #tpu.memory_space<vmem>>) dst(%dma_wait3A_146 : memref<128x128xf32, #tpu.memory_space<hbm>>)
      %mul3A_147 = arith.constant 128 : i32
      %mul3A_148 = arith.muli %add3A_137, %mul3A_147 : i32
      %dma_start3A_149 = tpu.memref_slice %arg5[%mul3A_148] : memref<25600xi32, #tpu.memory_space<vmem>> -> memref<128xi32, #tpu.memory_space<vmem>>
      %dma_start3A_150 = arith.constant 0 : i32
      %dma_start3A_151 = arith.constant 0 : i32
      %dma_start3A_152 = tpu.memref_slice %arg2[%dma_start3A_150, %dma_start3A_151] : memref<100000x128xf32, #tpu.memory_space<hbm>> -> memref<100000x128xf32, #tpu.memory_space<hbm>>
      tpu.enqueue_indirect_dma source(%dma_start3A_152 : memref<100000x128xf32, #tpu.memory_space<hbm>>) target(%arg7 : memref<128x128xf32, #tpu.memory_space<vmem>>) offsets(%dma_start3A_149 : memref<128xi32, #tpu.memory_space<vmem>>) semaphore(%arg11 : memref<!tpu.dma_semaphore, #tpu.memory_space<semaphore_mem>>)
      %sub3A_153 = arith.constant 2 : i32
      %sub3A_154 = arith.subi %add3A_137, %sub3A_153 : i32
      %mul3A_155 = arith.constant 128 : i32
      %mul3A_156 = arith.muli %sub3A_154, %mul3A_155 : i32
      %dma_wait3A_157 = tpu.memref_slice %arg5[%mul3A_156] : memref<25600xi32, #tpu.memory_space<vmem>> -> memref<128xi32, #tpu.memory_space<vmem>>
      %dma_wait3A_158 = arith.constant 0 : i32
      %dma_wait3A_159 = arith.constant 0 : i32
      %dma_wait3A_160 = tpu.memref_slice %arg2[%dma_wait3A_158, %dma_wait3A_159] : memref<100000x128xf32, #tpu.memory_space<hbm>> -> memref<100000x128xf32, #tpu.memory_space<hbm>>
      tpu.wait_indirect_dma semaphore(%arg13 : memref<!tpu.dma_semaphore, #tpu.memory_space<semaphore_mem>>) src(%dma_wait3A_160 : memref<100000x128xf32, #tpu.memory_space<hbm>>) dst(%arg9 : memref<128x128xf32, #tpu.memory_space<vmem>>)
      %sub3A_161 = arith.constant 2 : i32
      %sub3A_162 = arith.subi %add3A_137, %sub3A_161 : i32
      %mul3A_163 = arith.constant 128 : i32
      %mul3A_164 = arith.muli %sub3A_162, %mul3A_163 : i32
      %add3A_165 = arith.addi %mul3A_2, %mul3A_164 : i32
      %dma_start3A_166 = arith.constant 0 : i32
      %dma_start3A_167 = tpu.memref_slice %arg4[%add3A_165, %dma_start3A_166] : memref<819200x128xf32, #tpu.memory_space<hbm>> -> memref<128x128xf32, #tpu.memory_space<hbm>>
      %dma_start3A_168 = arith.constant 0 : i32
      %dma_start3A_169 = tpu.memref_slice %arg4[%add3A_165, %dma_start3A_168] : memref<819200x128xf32, #tpu.memory_space<hbm>> -> memref<128x128xf32, #tpu.memory_space<hbm>>
      tpu.enqueue_dma source(%arg9 : memref<128x128xf32, #tpu.memory_space<vmem>>) target(%dma_start3A_169 : memref<128x128xf32, #tpu.memory_space<hbm>>) target_semaphore(%arg17 : memref<!tpu.dma_semaphore, #tpu.memory_space<semaphore_mem>>)
      %mul3A_170 = arith.constant 4 : i32
      %mul3A_171 = arith.muli %scan3A_94, %mul3A_170 : i32
      %add3A_172 = arith.constant 4 : i32
      %add3A_173 = arith.addi %add3A_172, %mul3A_171 : i32
      %add3A_174 = arith.constant 2 : i32
      %add3A_175 = arith.addi %add3A_173, %add3A_174 : i32
      %sub3A_176 = arith.constant 4 : i32
      %sub3A_177 = arith.subi %add3A_175, %sub3A_176 : i32
      %mul3A_178 = arith.constant 128 : i32
      %mul3A_179 = arith.muli %sub3A_177, %mul3A_178 : i32
      %add3A_180 = arith.addi %mul3A_2, %mul3A_179 : i32
      %dma_wait3A_181 = arith.constant 0 : i32
      %dma_wait3A_182 = tpu.memref_slice %arg4[%add3A_180, %dma_wait3A_181] : memref<819200x128xf32, #tpu.memory_space<hbm>> -> memref<128x128xf32, #tpu.memory_space<hbm>>
      %dma_wait3A_183 = arith.constant 0 : i32
      %dma_wait3A_184 = tpu.memref_slice %arg4[%add3A_180, %dma_wait3A_183] : memref<819200x128xf32, #tpu.memory_space<hbm>> -> memref<128x128xf32, #tpu.memory_space<hbm>>
      tpu.wait_dma2 semaphore(%arg16 : memref<!tpu.dma_semaphore, #tpu.memory_space<semaphore_mem>>) src(%arg8 : memref<128x128xf32, #tpu.memory_space<vmem>>) dst(%dma_wait3A_184 : memref<128x128xf32, #tpu.memory_space<hbm>>)
      %mul3A_185 = arith.constant 128 : i32
      %mul3A_186 = arith.muli %add3A_175, %mul3A_185 : i32
      %dma_start3A_187 = tpu.memref_slice %arg5[%mul3A_186] : memref<25600xi32, #tpu.memory_space<vmem>> -> memref<128xi32, #tpu.memory_space<vmem>>
      %dma_start3A_188 = arith.constant 0 : i32
      %dma_start3A_189 = arith.constant 0 : i32
      %dma_start3A_190 = tpu.memref_slice %arg2[%dma_start3A_188, %dma_start3A_189] : memref<100000x128xf32, #tpu.memory_space<hbm>> -> memref<100000x128xf32, #tpu.memory_space<hbm>>
      tpu.enqueue_indirect_dma source(%dma_start3A_190 : memref<100000x128xf32, #tpu.memory_space<hbm>>) target(%arg8 : memref<128x128xf32, #tpu.memory_space<vmem>>) offsets(%dma_start3A_187 : memref<128xi32, #tpu.memory_space<vmem>>) semaphore(%arg12 : memref<!tpu.dma_semaphore, #tpu.memory_space<semaphore_mem>>)
      %sub3A_191 = arith.constant 2 : i32
      %sub3A_192 = arith.subi %add3A_175, %sub3A_191 : i32
      %mul3A_193 = arith.constant 128 : i32
      %mul3A_194 = arith.muli %sub3A_192, %mul3A_193 : i32
      %dma_wait3A_195 = tpu.memref_slice %arg5[%mul3A_194] : memref<25600xi32, #tpu.memory_space<vmem>> -> memref<128xi32, #tpu.memory_space<vmem>>
      %dma_wait3A_196 = arith.constant 0 : i32
      %dma_wait3A_197 = arith.constant 0 : i32
      %dma_wait3A_198 = tpu.memref_slice %arg2[%dma_wait3A_196, %dma_wait3A_197] : memref<100000x128xf32, #tpu.memory_space<hbm>> -> memref<100000x128xf32, #tpu.memory_space<hbm>>
      tpu.wait_indirect_dma semaphore(%arg10 : memref<!tpu.dma_semaphore, #tpu.memory_space<semaphore_mem>>) src(%dma_wait3A_198 : memref<100000x128xf32, #tpu.memory_space<hbm>>) dst(%arg6 : memref<128x128xf32, #tpu.memory_space<vmem>>)
      %sub3A_199 = arith.constant 2 : i32
      %sub3A_200 = arith.subi %add3A_175, %sub3A_199 : i32
      %mul3A_201 = arith.constant 128 : i32
      %mul3A_202 = arith.muli %sub3A_200, %mul3A_201 : i32
      %add3A_203 = arith.addi %mul3A_2, %mul3A_202 : i32
      %dma_start3A_204 = arith.constant 0 : i32
      %dma_start3A_205 = tpu.memref_slice %arg4[%add3A_203, %dma_start3A_204] : memref<819200x128xf32, #tpu.memory_space<hbm>> -> memref<128x128xf32, #tpu.memory_space<hbm>>
      %dma_start3A_206 = arith.constant 0 : i32
      %dma_start3A_207 = tpu.memref_slice %arg4[%add3A_203, %dma_start3A_206] : memref<819200x128xf32, #tpu.memory_space<hbm>> -> memref<128x128xf32, #tpu.memory_space<hbm>>
      tpu.enqueue_dma source(%arg6 : memref<128x128xf32, #tpu.memory_space<vmem>>) target(%dma_start3A_207 : memref<128x128xf32, #tpu.memory_space<hbm>>) target_semaphore(%arg14 : memref<!tpu.dma_semaphore, #tpu.memory_space<semaphore_mem>>)
      %mul3A_208 = arith.constant 4 : i32
      %mul3A_209 = arith.muli %scan3A_94, %mul3A_208 : i32
      %add3A_210 = arith.constant 4 : i32
      %add3A_211 = arith.addi %add3A_210, %mul3A_209 : i32
      %add3A_212 = arith.constant 3 : i32
      %add3A_213 = arith.addi %add3A_211, %add3A_212 : i32
      %sub3A_214 = arith.constant 4 : i32
      %sub3A_215 = arith.subi %add3A_213, %sub3A_214 : i32
      %mul3A_216 = arith.constant 128 : i32
      %mul3A_217 = arith.muli %sub3A_215, %mul3A_216 : i32
      %add3A_218 = arith.addi %mul3A_2, %mul3A_217 : i32
      %dma_wait3A_219 = arith.constant 0 : i32
      %dma_wait3A_220 = tpu.memref_slice %arg4[%add3A_218, %dma_wait3A_219] : memref<819200x128xf32, #tpu.memory_space<hbm>> -> memref<128x128xf32, #tpu.memory_space<hbm>>
      %dma_wait3A_221 = arith.constant 0 : i32
      %dma_wait3A_222 = tpu.memref_slice %arg4[%add3A_218, %dma_wait3A_221] : memref<819200x128xf32, #tpu.memory_space<hbm>> -> memref<128x128xf32, #tpu.memory_space<hbm>>
      tpu.wait_dma2 semaphore(%arg17 : memref<!tpu.dma_semaphore, #tpu.memory_space<semaphore_mem>>) src(%arg9 : memref<128x128xf32, #tpu.memory_space<vmem>>) dst(%dma_wait3A_222 : memref<128x128xf32, #tpu.memory_space<hbm>>)
      %mul3A_223 = arith.constant 128 : i32
      %mul3A_224 = arith.muli %add3A_213, %mul3A_223 : i32
      %dma_start3A_225 = tpu.memref_slice %arg5[%mul3A_224] : memref<25600xi32, #tpu.memory_space<vmem>> -> memref<128xi32, #tpu.memory_space<vmem>>
      %dma_start3A_226 = arith.constant 0 : i32
      %dma_start3A_227 = arith.constant 0 : i32
      %dma_start3A_228 = tpu.memref_slice %arg2[%dma_start3A_226, %dma_start3A_227] : memref<100000x128xf32, #tpu.memory_space<hbm>> -> memref<100000x128xf32, #tpu.memory_space<hbm>>
      tpu.enqueue_indirect_dma source(%dma_start3A_228 : memref<100000x128xf32, #tpu.memory_space<hbm>>) target(%arg9 : memref<128x128xf32, #tpu.memory_space<vmem>>) offsets(%dma_start3A_225 : memref<128xi32, #tpu.memory_space<vmem>>) semaphore(%arg13 : memref<!tpu.dma_semaphore, #tpu.memory_space<semaphore_mem>>)
      %sub3A_229 = arith.constant 2 : i32
      %sub3A_230 = arith.subi %add3A_213, %sub3A_229 : i32
      %mul3A_231 = arith.constant 128 : i32
      %mul3A_232 = arith.muli %sub3A_230, %mul3A_231 : i32
      %dma_wait3A_233 = tpu.memref_slice %arg5[%mul3A_232] : memref<25600xi32, #tpu.memory_space<vmem>> -> memref<128xi32, #tpu.memory_space<vmem>>
      %dma_wait3A_234 = arith.constant 0 : i32
      %dma_wait3A_235 = arith.constant 0 : i32
      %dma_wait3A_236 = tpu.memref_slice %arg2[%dma_wait3A_234, %dma_wait3A_235] : memref<100000x128xf32, #tpu.memory_space<hbm>> -> memref<100000x128xf32, #tpu.memory_space<hbm>>
      tpu.wait_indirect_dma semaphore(%arg11 : memref<!tpu.dma_semaphore, #tpu.memory_space<semaphore_mem>>) src(%dma_wait3A_236 : memref<100000x128xf32, #tpu.memory_space<hbm>>) dst(%arg7 : memref<128x128xf32, #tpu.memory_space<vmem>>)
      %sub3A_237 = arith.constant 2 : i32
      %sub3A_238 = arith.subi %add3A_213, %sub3A_237 : i32
      %mul3A_239 = arith.constant 128 : i32
      %mul3A_240 = arith.muli %sub3A_238, %mul3A_239 : i32
      %add3A_241 = arith.addi %mul3A_2, %mul3A_240 : i32
      %dma_start3A_242 = arith.constant 0 : i32
      %dma_start3A_243 = tpu.memref_slice %arg4[%add3A_241, %dma_start3A_242] : memref<819200x128xf32, #tpu.memory_space<hbm>> -> memref<128x128xf32, #tpu.memory_space<hbm>>
      %dma_start3A_244 = arith.constant 0 : i32
      %dma_start3A_245 = tpu.memref_slice %arg4[%add3A_241, %dma_start3A_244] : memref<819200x128xf32, #tpu.memory_space<hbm>> -> memref<128x128xf32, #tpu.memory_space<hbm>>
      tpu.enqueue_dma source(%arg7 : memref<128x128xf32, #tpu.memory_space<vmem>>) target(%dma_start3A_245 : memref<128x128xf32, #tpu.memory_space<hbm>>) target_semaphore(%arg15 : memref<!tpu.dma_semaphore, #tpu.memory_space<semaphore_mem>>)
    }
    %scan3A_47 = arith.constant 49 : i32
    %dma_wait3A_48 = arith.constant 25344 : i32
    %dma_wait3A_49 = tpu.memref_slice %arg5[%dma_wait3A_48] : memref<25600xi32, #tpu.memory_space<vmem>> -> memref<128xi32, #tpu.memory_space<vmem>>
    %dma_wait3A_50 = arith.constant 0 : i32
    %dma_wait3A_51 = arith.constant 0 : i32
    %dma_wait3A_52 = tpu.memref_slice %arg2[%dma_wait3A_50, %dma_wait3A_51] : memref<100000x128xf32, #tpu.memory_space<hbm>> -> memref<100000x128xf32, #tpu.memory_space<hbm>>
    tpu.wait_indirect_dma semaphore(%arg12 : memref<!tpu.dma_semaphore, #tpu.memory_space<semaphore_mem>>) src(%dma_wait3A_52 : memref<100000x128xf32, #tpu.memory_space<hbm>>) dst(%arg8 : memref<128x128xf32, #tpu.memory_space<vmem>>)
    %add3A_53 = arith.constant 25344 : i32
    %add3A_54 = arith.addi %mul3A_2, %add3A_53 : i32
    %dma_start3A_55 = arith.constant 0 : i32
    %dma_start3A_56 = tpu.memref_slice %arg4[%add3A_54, %dma_start3A_55] : memref<819200x128xf32, #tpu.memory_space<hbm>> -> memref<128x128xf32, #tpu.memory_space<hbm>>
    %dma_start3A_57 = arith.constant 0 : i32
    %dma_start3A_58 = tpu.memref_slice %arg4[%add3A_54, %dma_start3A_57] : memref<819200x128xf32, #tpu.memory_space<hbm>> -> memref<128x128xf32, #tpu.memory_space<hbm>>
    tpu.enqueue_dma source(%arg8 : memref<128x128xf32, #tpu.memory_space<vmem>>) target(%dma_start3A_58 : memref<128x128xf32, #tpu.memory_space<hbm>>) target_semaphore(%arg16 : memref<!tpu.dma_semaphore, #tpu.memory_space<semaphore_mem>>)
    %dma_wait3A_59 = arith.constant 25472 : i32
    %dma_wait3A_60 = tpu.memref_slice %arg5[%dma_wait3A_59] : memref<25600xi32, #tpu.memory_space<vmem>> -> memref<128xi32, #tpu.memory_space<vmem>>
    %dma_wait3A_61 = arith.constant 0 : i32
    %dma_wait3A_62 = arith.constant 0 : i32
    %dma_wait3A_63 = tpu.memref_slice %arg2[%dma_wait3A_61, %dma_wait3A_62] : memref<100000x128xf32, #tpu.memory_space<hbm>> -> memref<100000x128xf32, #tpu.memory_space<hbm>>
    tpu.wait_indirect_dma semaphore(%arg13 : memref<!tpu.dma_semaphore, #tpu.memory_space<semaphore_mem>>) src(%dma_wait3A_63 : memref<100000x128xf32, #tpu.memory_space<hbm>>) dst(%arg9 : memref<128x128xf32, #tpu.memory_space<vmem>>)
    %add3A_64 = arith.constant 25472 : i32
    %add3A_65 = arith.addi %mul3A_2, %add3A_64 : i32
    %dma_start3A_66 = arith.constant 0 : i32
    %dma_start3A_67 = tpu.memref_slice %arg4[%add3A_65, %dma_start3A_66] : memref<819200x128xf32, #tpu.memory_space<hbm>> -> memref<128x128xf32, #tpu.memory_space<hbm>>
    %dma_start3A_68 = arith.constant 0 : i32
    %dma_start3A_69 = tpu.memref_slice %arg4[%add3A_65, %dma_start3A_68] : memref<819200x128xf32, #tpu.memory_space<hbm>> -> memref<128x128xf32, #tpu.memory_space<hbm>>
    tpu.enqueue_dma source(%arg9 : memref<128x128xf32, #tpu.memory_space<vmem>>) target(%dma_start3A_69 : memref<128x128xf32, #tpu.memory_space<hbm>>) target_semaphore(%arg17 : memref<!tpu.dma_semaphore, #tpu.memory_space<semaphore_mem>>)
    %add3A_70 = arith.constant 25088 : i32
    %add3A_71 = arith.addi %mul3A_2, %add3A_70 : i32
    %dma_wait3A_72 = arith.constant 0 : i32
    %dma_wait3A_73 = tpu.memref_slice %arg4[%add3A_71, %dma_wait3A_72] : memref<819200x128xf32, #tpu.memory_space<hbm>> -> memref<128x128xf32, #tpu.memory_space<hbm>>
    %dma_wait3A_74 = arith.constant 0 : i32
    %dma_wait3A_75 = tpu.memref_slice %arg4[%add3A_71, %dma_wait3A_74] : memref<819200x128xf32, #tpu.memory_space<hbm>> -> memref<128x128xf32, #tpu.memory_space<hbm>>
    tpu.wait_dma2 semaphore(%arg14 : memref<!tpu.dma_semaphore, #tpu.memory_space<semaphore_mem>>) src(%arg6 : memref<128x128xf32, #tpu.memory_space<vmem>>) dst(%dma_wait3A_75 : memref<128x128xf32, #tpu.memory_space<hbm>>)
    %add3A_76 = arith.constant 25216 : i32
    %add3A_77 = arith.addi %mul3A_2, %add3A_76 : i32
    %dma_wait3A_78 = arith.constant 0 : i32
    %dma_wait3A_79 = tpu.memref_slice %arg4[%add3A_77, %dma_wait3A_78] : memref<819200x128xf32, #tpu.memory_space<hbm>> -> memref<128x128xf32, #tpu.memory_space<hbm>>
    %dma_wait3A_80 = arith.constant 0 : i32
    %dma_wait3A_81 = tpu.memref_slice %arg4[%add3A_77, %dma_wait3A_80] : memref<819200x128xf32, #tpu.memory_space<hbm>> -> memref<128x128xf32, #tpu.memory_space<hbm>>
    tpu.wait_dma2 semaphore(%arg15 : memref<!tpu.dma_semaphore, #tpu.memory_space<semaphore_mem>>) src(%arg7 : memref<128x128xf32, #tpu.memory_space<vmem>>) dst(%dma_wait3A_81 : memref<128x128xf32, #tpu.memory_space<hbm>>)
    %add3A_82 = arith.constant 25344 : i32
    %add3A_83 = arith.addi %mul3A_2, %add3A_82 : i32
    %dma_wait3A_84 = arith.constant 0 : i32
    %dma_wait3A_85 = tpu.memref_slice %arg4[%add3A_83, %dma_wait3A_84] : memref<819200x128xf32, #tpu.memory_space<hbm>> -> memref<128x128xf32, #tpu.memory_space<hbm>>
    %dma_wait3A_86 = arith.constant 0 : i32
    %dma_wait3A_87 = tpu.memref_slice %arg4[%add3A_83, %dma_wait3A_86] : memref<819200x128xf32, #tpu.memory_space<hbm>> -> memref<128x128xf32, #tpu.memory_space<hbm>>
    tpu.wait_dma2 semaphore(%arg16 : memref<!tpu.dma_semaphore, #tpu.memory_space<semaphore_mem>>) src(%arg8 : memref<128x128xf32, #tpu.memory_space<vmem>>) dst(%dma_wait3A_87 : memref<128x128xf32, #tpu.memory_space<hbm>>)
    %add3A_88 = arith.constant 25472 : i32
    %add3A_89 = arith.addi %mul3A_2, %add3A_88 : i32
    %dma_wait3A_90 = arith.constant 0 : i32
    %dma_wait3A_91 = tpu.memref_slice %arg4[%add3A_89, %dma_wait3A_90] : memref<819200x128xf32, #tpu.memory_space<hbm>> -> memref<128x128xf32, #tpu.memory_space<hbm>>
    %dma_wait3A_92 = arith.constant 0 : i32
    %dma_wait3A_93 = tpu.memref_slice %arg4[%add3A_89, %dma_wait3A_92] : memref<819200x128xf32, #tpu.memory_space<hbm>> -> memref<128x128xf32, #tpu.memory_space<hbm>>
    tpu.wait_dma2 semaphore(%arg17 : memref<!tpu.dma_semaphore, #tpu.memory_space<semaphore_mem>>) src(%arg9 : memref<128x128xf32, #tpu.memory_space<vmem>>) dst(%dma_wait3A_93 : memref<128x128xf32, #tpu.memory_space<hbm>>)
    return
  }
}

</mosaic_0001>

<sc_bundles>
// kernel: _gather_rows.3.cloned.1.call-start
scs
__scs_entry_jumppad:
0x0: {  	(pc) =	sbr.rel $0x88, $3  }
0x1: {  	(tag) =	ssettag $0x0;
	lr =	simm.s32 $0x1  }
0x2: {  	[smem:$0x3F9F] =	sst lr;
	_ =	strace $0xD0000000  }
0x3: {  	_ = 	snop  }
0x4: {  	_ = 	snop  }
0x5: {  	_ = 	snop  }
0x6: {  	_ = 	snop  }
0x7: {  	_ = 	snop  }
__scs_overlays_trampoline_lowered:
0x8: {  	[smem:$0x3FAE] =	sst s0  }
0x9: {  	[smem:$0x3FAF] =	sst s1  }
0xa: {  	[smem:$0x3FB0] =	sst s2  }
0xb: {  	[smem:$0x3FB1] =	sst s3  }
0xc: {  	[smem:$0x3FB2] =	sst s4  }
0xd: {  	[smem:$0x3FB3] =	sst s5  }
0xe: {  	[smem:$0x3FB4] =	sst s6  }
0xf: {  	[smem:$0x3FB5] =	sst s7  }
0x10: {  	[smem:$0x3FB6] =	sst s8  }
0x11: {  	[smem:$0x3FB7] =	sst s9;
	s0 =	simm.s32 @!p0 $0x0  }
0x12: {  	s1 =	sld [smem:$0x3F9D];
	s0 =	simm.s32 @p0 $0x1  }
0x13: {  	[smem:$0x3FB8] =	sst s0;
	s0 =	simm.s32 @!p1 $0x0  }
0x14: {  	s2 =	sld [smem:$0x3F9C];
	s0 =	simm.s32 @p1 $0x1  }
0x15: {  	[smem:$0x3FB9] =	sst s0;
	s0 =	simm.s32 @!p2 $0x0  }
0x16: {  	s3 =	sld [smem:$0x3FDB];
	s0 =	simm.s32 @p2 $0x1  }
0x17: {  	s4 =	simm.s32 $0x1BF5;
	[smem:$0x3FBB] =	sst s0  }
0x18: {  	s0 =	sld [smem:$0x3F9E];
	_ =	swait.ge [sflag:s4], $0x0  }
0x19: {  	s7 =	sld [smem:$0x3F9F]  }
0x1a: {  	s8 =	sadd.s32 $0xFFFFE003, lr  }
0x1b: {  	s9 =	sadd.s32 $0xFFFFFEF7, lr;
	s5 =	simm.s32 $0xFFFFFFFF;
	p2 =	slt.u32 s8, $0xFFFFF086  }
0x1c: {  	p1 =	slt.u32 s9, $0xF7A;
	s5 =	simm.s32 @!p2 $0x0  }
0x1d: {  	s5 =	simm.s32 @p1 $0x1;
	p0 =	seq.s32 s7, s2  }
0x1e: {  	s7 =	smul.u32 @!p0 $0xF7A, s2;
	p2 =	seq.s32 @!p0 s5, $0x0  }
0x1f: {  	s9 =	smul.u32 $0xF7A, s1;
	s8 =	simm.s32 @!p0 $0x1BF5;
	p2 =	por !p2, p0  }
0x20: {  	[sflag:s8] =	ssyncset.s32 @!p0 $0xFFFFF086;
	s6 =	sadd.s32 @!p0 s3, s7;
	s7 =	simm.s32 @!p0 $0x108  }
0x21: {  	s3 =	sadd.s32 s3, s9;
	s6 =	sadd.s32 @!p0 $0x88, s6;
	s7 =	simm.s32 @p2 $0x1082  }
0x22: {  	[simem:s7], [sflag:s8] =	dma.local @!p0 [hbm:s6], $0xF7A  }
0x23: {  	s9 =	sor.u32 $0xD0000000, s2;
	s6 =	simm.s32 $0x108;
	_ =	swait.ge @!p0 [sflag:s8], $0x0  }
0x24: {  	s3 =	sadd.s32 $0x88, s3;
	s6 =	simm.s32 @!p1 $0x1082;
	[sflag:s4] =	ssyncset.s32 $0xFFFFF086  }
0x25: {  	[simem:s6], [sflag:s4] =	dma.local [hbm:s3], $0xF7A  }
0x26: {  	[smem:$0x3F9F] =	sst s1;
	(tag) =	ssettag s2;
	_ =	strace s9  }
0x27: {  	s1 =	sld [smem:$0x3FAF]  }
0x28: {  	s2 =	sld [smem:$0x3FB0]  }
0x29: {  	s4 =	sld [smem:$0x3FB2]  }
0x2a: {  	p0 =	seq.s32 s5, $0x0;
	s5 =	sld [smem:$0x3FB3]  }
0x2b: {  	s6 =	sld [smem:$0x3FB4]  }
0x2c: {  	s7 =	sld [smem:$0x3FB5]  }
0x2d: {  	s3 =	simm.s32 $0x108;
	s8 =	sld [smem:$0x3FB6]  }
0x2e: {  	s3 =	simm.s32 @!p0 $0x1082;
	s9 =	sld [smem:$0x3FB7]  }
0x2f: {  	lr =	sadd.s32 s0, s3;
	s0 =	sld [smem:$0x3FAE]  }
0x30: {  	s3 =	sld [smem:$0x3FB1]  }
0x31: {  	[smem:$0x3FBA] =	sst s10  }
0x32: {  	s10 =	sld [smem:$0x3FB8];
	_ =	sdelay $0x3  }
0x33: {  	p0 =	seq.s32 s10, $0x1;
	s10 =	sld [smem:$0x3FBA];
	_ =	sdelay $0x3  }
0x34: {  	[smem:$0x3FBA] =	sst s10  }
0x35: {  	s10 =	sld [smem:$0x3FB9];
	_ =	sdelay $0x3  }
0x36: {  	p1 =	seq.s32 s10, $0x1;
	s10 =	sld [smem:$0x3FBA];
	_ =	sdelay $0x3  }
0x37: {  	[smem:$0x3FBA] =	sst s10  }
0x38: {  	s10 =	sld [smem:$0x3FBB]  }
0x39: {  	_ = 	snop;
	(pc) =	sbr.ind lr, $3  }
0x3a: {  	_ = 	snop  }
0x3b: {  	_ = 	snop  }
0x3c: {  	p2 =	seq.s32 s10, $0x1;
	s10 =	sld [smem:$0x3FBA]  }
0x3d: {  	_ =	shalt  }
0x3e: {  	_ =	shalt  }
0x3f: {  	_ =	shalt  }
0x40: {  	_ =	shalt  }
0x41: {  	_ =	shalt  }
0x42: {  	_ =	shalt  }
0x43: {  	_ =	shalt  }
0x44: {  	_ =	shalt  }
0x45: {  	_ =	shalt  }
0x46: {  	_ =	shalt  }
0x47: {  	_ =	shalt  }
0x48: {  	_ =	shalt  }
0x49: {  	_ =	shalt  }
0x4a: {  	_ =	shalt  }
0x4b: {  	_ =	shalt  }
0x4c: {  	_ =	shalt  }
0x4d: {  	_ =	shalt  }
0x4e: {  	_ =	shalt  }
0x4f: {  	_ =	shalt  }
0x50: {  	_ =	shalt  }
0x51: {  	_ =	shalt  }
0x52: {  	_ =	shalt  }
0x53: {  	_ =	shalt  }
0x54: {  	_ =	shalt  }
0x55: {  	_ =	shalt  }
0x56: {  	_ =	shalt  }
0x57: {  	_ =	shalt  }
0x58: {  	_ =	shalt  }
0x59: {  	_ =	shalt  }
0x5a: {  	_ =	shalt  }
0x5b: {  	_ =	shalt  }
0x5c: {  	_ =	shalt  }
0x5d: {  	_ =	shalt  }
0x5e: {  	_ =	shalt  }
0x5f: {  	_ =	shalt  }
0x60: {  	_ =	shalt  }
0x61: {  	_ =	shalt  }
0x62: {  	_ =	shalt  }
0x63: {  	_ =	shalt  }
0x64: {  	_ =	shalt  }
0x65: {  	_ =	shalt  }
0x66: {  	_ =	shalt  }
0x67: {  	_ =	shalt  }
0x68: {  	_ =	shalt  }
0x69: {  	_ =	shalt  }
0x6a: {  	_ =	shalt  }
0x6b: {  	_ =	shalt  }
0x6c: {  	_ =	shalt  }
0x6d: {  	_ =	shalt  }
0x6e: {  	_ =	shalt  }
0x6f: {  	_ =	shalt  }
0x70: {  	_ =	shalt  }
0x71: {  	_ =	shalt  }
0x72: {  	_ =	shalt  }
0x73: {  	_ =	shalt  }
0x74: {  	_ =	shalt  }
0x75: {  	_ =	shalt  }
0x76: {  	_ =	shalt  }
0x77: {  	_ =	shalt  }
0x78: {  	_ =	shalt  }
0x79: {  	_ =	shalt  }
0x7a: {  	_ =	shalt  }
0x7b: {  	_ =	shalt  }
0x7c: {  	_ =	shalt  }
0x7d: {  	_ =	shalt  }
0x7e: {  	_ =	shalt  }
0x7f: {  	_ =	shalt  }
0x80: {  	_ =	shalt  }
0x81: {  	_ =	shalt  }
0x82: {  	_ =	shalt  }
0x83: {  	_ =	shalt  }
0x84: {  	_ =	shalt  }
0x85: {  	_ =	shalt  }
0x86: {  	_ =	shalt  }
0x87: {  	_ =	shalt  }
.Lfunc_end0:
.L_simem_size_0:
called_computation_lowered:
.L_overlay_start_0:
0x88: {  	s2 =	sld [smem:$0x3FD9]  }
0x89: {  	s3 =	sld [smem:$0x3FFE];
	_ =	sdelay $0x1  }
0x8a: {  	s1 =	srdreg.scid  }
0x8b: {  	s0 =	sand.u32 $0x1, s1  }
0x8c: {  	s18 =	sshll.u32 s0, $0xA;
	s2 =	sadd.s32 s3, s2  }
0x8d: {  	s2 =	sadd.s32 s2, s18  }
0x8e: {  	[smem:$0x3FC6] =	sst s2  }
0x8f: {  	_ = 	snop  }
0x90: {  	s2 =	sld [smem:$0x3FC9]  }
0x91: {  	s19 =	sld [smem:$0x3FC8]  }
0x92: {  	s4 =	sld [smem:$0x3FD0];
	(tm) =	ssettm $0x1  }
0x93: {  	s5 =	sld [smem:$0x3FFB];
	_ =	sdelay $0x3  }
0x94: {  	_ =	strace s5  }
0x95: {  	s5 =	sld [smem:$0x3FFC];
	_ =	sdelay $0x3  }
0x96: {  	_ =	strace s5  }
0x97: {  	s5 =	sld [smem:$0x3FFD];
	_ =	sdelay $0x3  }
0x98: {  	_ =	strace s5  }
0x99: {  	_ =	strace $0x8FFFFFFF  }
0x9a: {  	s20 =	sld [smem:$0x3FDB];
	_ =	sdelay $0x1  }
0x9b: {  	s6 =	simm.s32 $_scs_section_size  }
0x9c: {  	s7 =	simm.s32 $_size__tile_overlayer_lowered;
	s8 =	simm.s32 $_tile_overlayer_lowered  }
0x9d: {  	s23 =	simm.s32 $0x1BFF;
	s22 =	sshll.u32 s8, $0x1;
	s5 =	sadd.s32 s6, s20  }
0x9e: {  	s9 =	simm.s32 $0x0;
	s21 =	sshll.u32 s7, $0x1;
	s7 =	sadd.s32 s22, s5  }
0x9f: {  	[timem:s9], [sflag:s23] =	dma.local [hbm:s7], s21  }
0xa0: {  	_ =	swait.ge [sflag:s23], s21  }
0xa1: {  	s6 =	ssub.s32 $0x0, s21;
	[sflag:s23] =	ssyncset.done $0x0  }
0xa2: {  	[sflag:s23] =	ssyncadd.s32 s6;
	_ =	sdelay $0x1  }
0xa3: {  	s24 =	simm.s32 $0x1B8B  }
0xa4: {  	_ =	swait.ge [sflag:s24], $0x1  }
0xa5: {  	[sflag:s24] =	ssyncset.done $0x0  }
0xa6: {  	s25 =	simm.s32 $0x1B8E;
	[sflag:s24] =	ssyncadd.s32 $0xFFFFFFFF  }
0xa7: {  	s26 =	simm.s32 $execute0_lowered;
	[smem:$0x3FD2] =	sst s25  }
0xa8: {  	s6 =	sshll.u32 s26, $0x1;
	_ =	strace $0x80000046;
	[dreg:$0x1] =	wrdreg $0xFFFFFFFF  }
0xa9: {  	s28 =	simm.s32 $_size_execute0_lowered;
	s5 =	sadd.s32 s5, s6;
	[dreg:$0x0] =	wrdreg $0x0  }
0xaa: {  	s6 =	sshll.u32 s28, $0x1;
	[dreg:$0x2] =	wrdreg s5  }
0xab: {  	[dreg:$0x3] =	wrdreg s6  }
0xac: {  	[dreg:$0x4] =	wrdreg $0xC0  }
0xad: {  	_ =	task [dreg:s9], $0x5FFFF  }
0xae: {  	[dreg:$0x1] =	wrdreg $0xFFFFFFFF  }
0xaf: {  	[dreg:$0x0] =	wrdreg $0x60  }
0xb0: {  	[dreg:$0x2] =	wrdreg s2  }
0xb1: {  	[dreg:$0x3] =	wrdreg s19  }
0xb2: {  	[dreg:$0x4] =	wrdreg s4  }
0xb3: {  	[dreg:$0x5] =	wrdreg $0x9  }
0xb4: {  	_ =	task.clear_ibuf [dreg:s9], $0x6FFFF;
	_ =	strace $0x90000046  }
0xb5: {  	s29 =	simm.s32 $0x9;
	_ =	strace $0x80000048  }
0xb6: {  	_ =	swait.ge [sflag:s29], $0x1  }
0xb7: {  	[sflag:s29] =	ssyncadd.s32 $0xFFFFFFFF  }
0xb8: {  	_ =	strace $0x90000048  }
0xb9: {  	_ =	sfence  }
0xba: {  	s30 =	sld [smem:$0x0];
	_ =	sdelay $0x2  }
0xbb: {  	s31 =	sshll.u32 s1, $0xD;
	s1 =	sshrl.u32 s1, $0x2  }
0xbc: {  	s3 =	sand.u32 $0x4000, s31;
	s1 =	sadd.s32 s1, s30  }
0xbd: {  	s0 =	sor.u32 s3, s0;
	s1 =	sshll.u32 s1, $0x11  }
0xbe: {  	s0 =	sor.u32 s1, s0  }
0xbf: {  	s0 =	sadd.s32 $0x8F2B, s0  }
0xc0: {  	[sflag:s0] =	ssyncadd.remote.s32 $0x1  }
0xc1: {  	_ =	sfence.sel $0xFFFF  }
0xc2: {  	[dreg:$0x0] =	wrdreg $0xFFFFFFFF;
	(pc) =	sbr.abs _section_cstart, $3  }
0xc3: {  	[dreg:$0x1] =	wrdreg $0xFFFFFFFF  }
0xc4: {  	_ =	task.clear_ibuf [dreg:s9], $0x2FFFF;
	_ =	strace $0x9FFFFFFF  }
0xc5: {  	(tm) =	ssettm $0x7FFFFFFF  }
tec
execute0_lowered:
.L_overlay_start_1:
0x0: {  	(tag) =	ssettag $0x1  }
0x1: {  	s1 =	rddreg [dreg:$0x0]  }
0x2: {  	s4 =	rddreg [dreg:$0x1];
	s2 =	srdreg.scid  }
0x3: {  	s0 =	stileid.u32;
	s8 =	rddreg [dreg:$0x2];
	s3 =	simm.s32 $0x0  }
0x4: {  	s14 =	simm.s32 $0xA400;
	s15 =	simm.s32 $0x100;
	s16 =	simm.s32 $0xE400  }
0x5: {  	s17 =	simm.s32 $0x1;
	s18 =	simm.s32 $0x180;
	s19 =	simm.s32 $0x12400  }
0x6: {  	s20 =	simm.s32 $0x2;
	s21 =	simm.s32 $0x5;
	s22 =	simm.s32 $0x3  }
0x7: {  	s23 =	simm.s32 $0x6;
	s24 =	simm.s32 $0x4;
	s25 =	simm.s32 $0x7  }
0x8: {  	s6 =	sand.u32 $0x1, s2;
	s5 =	sshll.u32 s0, $0x1;
	s30 =	smul.u32 $0xC8000, s0  }
0x9: {  	s28 =	simm.s32 $0x0;
	s5 =	sor.u32 s6, s5;
	s12 =	smul.u32 $0x64000, s6  }
0xa: {  	[smem:$0x7FF] =	sst s3;
	s7 =	ssub.s32 $0x2, s6;
	s9 =	smul.u32 $0x6400, s5  }
0xb: {  	_ =	strace $0x80000047;
	s10 =	sshrl.u32 s7, $0x1;
	s11 =	smul.u32 $0x320000, s5  }
0xc: {  	s5 =	smul.u32 $0x64000, s5;
	s13 =	sadd.s32 s30, s8;
	s10 =	ssub.s32 s7, s10  }
0xd: {  	s31 =	sadd.s32 s12, s13;
	s12 =	simm.s32 $0x80;
	s13 =	simm.s32 $0x6400  }
0xe: {  	s26 =	sshrl.u32 s9, $0x3;
	s29 =	sshrl.u32 s11, $0x3;
	s5 =	sadd.s32 s8, s5  }
0xf: {  	s9 =	smax.u32 s10, $0x1;
	s10 =	sadd.s32 $0x1800, s31;
	s4 =	sadd.s32 s4, s26  }
0x10: {  	s11 =	sadd.s32 s8, s29;
	s6 =	sadd.s32 $0x800, s5;
	s26 =	simm.s32 $0x8  }
0x11: {  	s7 =	sadd.s32 $0x63000, s11;
	s8 =	sadd.s32 $0x63800, s11;
	s11 =	simm.s32 $0x9  }
.LBB2_1:
0x12: {  	[tilespmem:s3], [sflag:$0x9] =	stream.linear.gather [hbm4b:s4+s3], $0x6400, $0x38;
	[tilespmem:$0x16400] =	vst v63  }
0x13: {  	_ =	swait.ge [sflag:s11], $0x6400  }
0x14: {  	[sflag:s11] =	ssyncset.done $0x0  }
0x15: {  	[sflag:s11] =	ssyncadd.s32 $0xFFFF9C00  }
0x16: {  	[tilespmem:s13], [sflag:$0x1] =	stream.indirect.gather [hbm4b:s1+s12], $0x80, s3, s12, $0xb8;
	[tilespmem:$0x16400] =	vst v63  }
0x17: {  	_ = 	snop  }
0x18: {  	[tilespmem:s14], [sflag:$0x2] =	stream.indirect.gather [hbm4b:s1+s12], $0x80, s12, s12, $0xb8;
	[tilespmem:$0x16400] =	vst v63  }
0x19: {  	_ = 	snop  }
0x1a: {  	[tilespmem:s16], [sflag:$0x3] =	stream.indirect.gather [hbm4b:s1+s12], $0x80, s15, s12, $0xb8;
	[tilespmem:$0x16400] =	vst v63  }
0x1b: {  	_ =	swait.ge [sflag:s17], $0x4000  }
0x1c: {  	[sflag:s17] =	ssyncset.done $0x0  }
0x1d: {  	[sflag:s17] =	ssyncadd.s32 $0xFFFFC000  }
0x1e: {  	[hbm4b:s5+s3] =	stream.linear.scatter [tilespmem:s13], [sflag:$0x5], $0x4000, $0x38;
	[tilespmem:$0x16400] =	vst v63  }
0x1f: {  	_ = 	snop  }
0x20: {  	[tilespmem:s19], [sflag:$0x4] =	stream.indirect.gather [hbm4b:s1+s12], $0x80, s18, s12, $0xb8;
	[tilespmem:$0x16400] =	vst v63  }
0x21: {  	_ =	swait.ge [sflag:s20], $0x4000  }
0x22: {  	[sflag:s20] =	ssyncset.done $0x0  }
0x23: {  	[sflag:s20] =	ssyncadd.s32 $0xFFFFC000  }
0x24: {  	[hbm4b:s6+s3] =	stream.linear.scatter [tilespmem:s14], [sflag:$0x6], $0x4000, $0x38;
	[tilespmem:$0x16400] =	vst v63  }
0x25: {  	_ =	swait.ge [sflag:s21], $0x4000  }
0x26: {  	[sflag:s21] =	ssyncset.done $0x0  }
0x27: {  	s29 =	simm.s32 $0x200;
	[sflag:s21] =	ssyncadd.s32 $0xFFFFC000  }
0x28: {  	[tilespmem:s13], [sflag:$0x1] =	stream.indirect.gather [hbm4b:s1+s12], $0x80, s29, s12, $0xb8;
	[tilespmem:$0x16400] =	vst v63  }
0x29: {  	_ =	swait.ge [sflag:s22], $0x4000  }
0x2a: {  	[sflag:s22] =	ssyncset.done $0x0  }
0x2b: {  	s29 =	sadd.s32 $0xFFFFF800, s10;
	[sflag:s22] =	ssyncadd.s32 $0xFFFFC000  }
0x2c: {  	[hbm4b:s29+s3] =	stream.linear.scatter [tilespmem:s16], [sflag:$0x7], $0x4000, $0x38;
	[tilespmem:$0x16400] =	vst v63  }
0x2d: {  	_ =	swait.ge [sflag:s23], $0x4000  }
0x2e: {  	[sflag:s23] =	ssyncset.done $0x0  }
0x2f: {  	s29 =	simm.s32 $0x280;
	[sflag:s23] =	ssyncadd.s32 $0xFFFFC000  }
0x30: {  	[tilespmem:s14], [sflag:$0x2] =	stream.indirect.gather [hbm4b:s1+s12], $0x80, s29, s12, $0xb8;
	[tilespmem:$0x16400] =	vst v63  }
0x31: {  	_ =	swait.ge [sflag:s24], $0x4000  }
0x32: {  	[sflag:s24] =	ssyncset.done $0x0  }
0x33: {  	[sflag:s24] =	ssyncadd.s32 $0xFFFFC000  }
0x34: {  	[hbm4b:s10+s3] =	stream.linear.scatter [tilespmem:s19], [sflag:$0x8], $0x4000, $0x38;
	[tilespmem:$0x16400] =	vst v63  }
0x35: {  	_ =	swait.ge [sflag:s25], $0x4000  }
0x36: {  	[sflag:s25] =	ssyncset.done $0x0  }
0x37: {  	s29 =	simm.s32 $0x300;
	[sflag:s25] =	ssyncadd.s32 $0xFFFFC000  }
0x38: {  	[tilespmem:s16], [sflag:$0x3] =	stream.indirect.gather [hbm4b:s1+s12], $0x80, s29, s12, $0xb8;
	[tilespmem:$0x16400] =	vst v63  }
0x39: {  	_ =	swait.ge [sflag:s17], $0x4000  }
0x3a: {  	[sflag:s17] =	ssyncset.done $0x0  }
0x3b: {  	s29 =	sadd.s32 $0x800, s10;
	[sflag:s17] =	ssyncadd.s32 $0xFFFFC000  }
0x3c: {  	[hbm4b:s29+s3] =	stream.linear.scatter [tilespmem:s13], [sflag:$0x5], $0x4000, $0x38;
	[tilespmem:$0x16400] =	vst v63  }
0x3d: {  	_ =	swait.ge [sflag:s26], $0x4000  }
0x3e: {  	[sflag:s26] =	ssyncset.done $0x0  }
0x3f: {  	s29 =	simm.s32 $0x380;
	[sflag:s26] =	ssyncadd.s32 $0xFFFFC000  }
0x40: {  	[tilespmem:s19], [sflag:$0x4] =	stream.indirect.gather [hbm4b:s1+s12], $0x80, s29, s12, $0xb8;
	[tilespmem:$0x16400] =	vst v63  }
0x41: {  	_ =	swait.ge [sflag:s20], $0x4000  }
0x42: {  	s31 =	sadd.s32 $0x1000, s10;
	[sflag:s20] =	ssyncset.done $0x0  }
0x43: {  	s30 =	sadd.s32 $0x2000, s10;
	s29 =	simm.s32 $0x800;
	[sflag:s20] =	ssyncadd.s32 $0xFFFFC000  }
.LBB2_2:
0x44: {  	[hbm4b:s31+s3] =	stream.linear.scatter [tilespmem:s14], [sflag:$0x6], $0x4000, $0x38;
	[tilespmem:$0x16400] =	vst v63  }
0x45: {  	s31 =	smov.u32 s29  }
0x46: {  	p0 =	sne.s32 s29, $0x18000;
	s29 =	sadd.s32 $0x800, s29;
	_ =	swait.ge [sflag:s21], $0x4000  }
0x47: {  	s31 =	sshra.s32 s31, $0x2;
	[sflag:s21] =	ssyncset.done $0x0  }
0x48: {  	s2 =	sadd.s32 $0x200, s31;
	[sflag:s21] =	ssyncadd.s32 $0xFFFFC000  }
0x49: {  	[tilespmem:s13], [sflag:$0x1] =	stream.indirect.gather [hbm4b:s1+s12], $0x80, s2, s12, $0xb8;
	[tilespmem:$0x16400] =	vst v63  }
0x4a: {  	_ =	swait.ge [sflag:s22], $0x4000  }
0x4b: {  	[sflag:s22] =	ssyncset.done $0x0  }
0x4c: {  	s2 =	sadd.s32 $0xFFFFF800, s30;
	[sflag:s22] =	ssyncadd.s32 $0xFFFFC000  }
0x4d: {  	[hbm4b:s2+s3] =	stream.linear.scatter [tilespmem:s16], [sflag:$0x7], $0x4000, $0x38;
	[tilespmem:$0x16400] =	vst v63  }
0x4e: {  	_ =	swait.ge [sflag:s23], $0x4000  }
0x4f: {  	[sflag:s23] =	ssyncset.done $0x0  }
0x50: {  	s2 =	sadd.s32 $0x280, s31;
	[sflag:s23] =	ssyncadd.s32 $0xFFFFC000  }
0x51: {  	[tilespmem:s14], [sflag:$0x2] =	stream.indirect.gather [hbm4b:s1+s12], $0x80, s2, s12, $0xb8;
	[tilespmem:$0x16400] =	vst v63  }
0x52: {  	_ =	swait.ge [sflag:s24], $0x4000  }
0x53: {  	[sflag:s24] =	ssyncset.done $0x0  }
0x54: {  	[sflag:s24] =	ssyncadd.s32 $0xFFFFC000  }
0x55: {  	[hbm4b:s30+s3] =	stream.linear.scatter [tilespmem:s19], [sflag:$0x8], $0x4000, $0x38;
	[tilespmem:$0x16400] =	vst v63  }
0x56: {  	_ =	swait.ge [sflag:s25], $0x4000  }
0x57: {  	[sflag:s25] =	ssyncset.done $0x0  }
0x58: {  	s2 =	sadd.s32 $0x300, s31;
	[sflag:s25] =	ssyncadd.s32 $0xFFFFC000  }
0x59: {  	[tilespmem:s16], [sflag:$0x3] =	stream.indirect.gather [hbm4b:s1+s12], $0x80, s2, s12, $0xb8;
	[tilespmem:$0x16400] =	vst v63  }
0x5a: {  	_ =	swait.ge [sflag:s17], $0x4000  }
0x5b: {  	[sflag:s17] =	ssyncset.done $0x0  }
0x5c: {  	s2 =	sadd.s32 $0x800, s30;
	[sflag:s17] =	ssyncadd.s32 $0xFFFFC000  }
0x5d: {  	[hbm4b:s2+s3] =	stream.linear.scatter [tilespmem:s13], [sflag:$0x5], $0x4000, $0x38;
	[tilespmem:$0x16400] =	vst v63  }
0x5e: {  	_ =	swait.ge [sflag:s26], $0x4000  }
0x5f: {  	[sflag:s26] =	ssyncset.done $0x0  }
.Ltmp0:
0x60: {  	s2 =	sadd.s32 $0x380, s31;
	[sflag:s26] =	ssyncadd.s32 $0xFFFFC000;
	(pc) =	sbr.rel @p0 .LBB2_2-.Ltmp0, $4  }
0x61: {  	[tilespmem:s19], [sflag:$0x4] =	stream.indirect.gather [hbm4b:s1+s12], $0x80, s2, s12, $0xb8;
	[tilespmem:$0x16400] =	vst v63  }
0x62: {  	_ =	swait.ge [sflag:s20], $0x4000  }
0x63: {  	[sflag:s20] =	ssyncset.done $0x0  }
0x64: {  	s31 =	sadd.s32 $0x1000, s30;
	s30 =	sadd.s32 $0x2000, s30;
	[sflag:s20] =	ssyncadd.s32 $0xFFFFC000  }
0x65: {  	[hbm4b:s31+s3] =	stream.linear.scatter [tilespmem:s14], [sflag:$0x6], $0x4000, $0x38;
	[tilespmem:$0x16400] =	vst v63  }
0x66: {  	_ =	swait.ge [sflag:s22], $0x4000  }
0x67: {  	[sflag:s22] =	ssyncset.done $0x0  }
0x68: {  	[sflag:s22] =	ssyncadd.s32 $0xFFFFC000  }
0x69: {  	[hbm4b:s7+s3] =	stream.linear.scatter [tilespmem:s16], [sflag:$0x7], $0x4000, $0x38;
	[tilespmem:$0x16400] =	vst v63  }
0x6a: {  	_ =	swait.ge [sflag:s24], $0x4000  }
0x6b: {  	[sflag:s24] =	ssyncset.done $0x0  }
0x6c: {  	[sflag:s24] =	ssyncadd.s32 $0xFFFFC000  }
0x6d: {  	[hbm4b:s8+s3] =	stream.linear.scatter [tilespmem:s19], [sflag:$0x8], $0x4000, $0x38;
	[tilespmem:$0x16400] =	vst v63  }
0x6e: {  	_ =	swait.ge [sflag:s21], $0x4000  }
0x6f: {  	[sflag:s21] =	ssyncset.done $0x0  }
0x70: {  	[sflag:s21] =	ssyncadd.s32 $0xFFFFC000  }
0x71: {  	_ =	swait.ge [sflag:s23], $0x4000  }
0x72: {  	[sflag:s23] =	ssyncset.done $0x0  }
0x73: {  	s28 =	sadd.s32 $0x1, s28;
	[sflag:s23] =	ssyncadd.s32 $0xFFFFC000  }
0x74: {  	p0 =	sne.s32 s28, s9;
	_ =	swait.ge [sflag:s25], $0x4000  }
.Ltmp1:
0x75: {  	[sflag:s25] =	ssyncset.done $0x0;
	(pc) =	sbr.rel @p0 .LBB2_1-.Ltmp1, $4  }
0x76: {  	[sflag:s25] =	ssyncadd.s32 $0xFFFFC000  }
0x77: {  	_ =	swait.ge [sflag:s26], $0x4000  }
0x78: {  	[sflag:s26] =	ssyncset.done $0x0  }
0x79: {  	[sflag:s26] =	ssyncadd.s32 $0xFFFFC000  }
0x7a: {  	_ =	sfence.sel $0x180000  }
0x7b: {  	[bflag:$0x0] =	sbarrier.arrive $0xFFFF  }
0x7c: {  	_ =	strace $0x90000047  }
0x7d: {  	[bflag:$0x2] =	sbarrier.arrive $0xFFFF  }
0x7e: {  	p0 =	sne.s32 s0, $0x0;
	s0 =	rddreg [dreg:$0x3]  }
0x7f: {  	s0 =	sadd.s32 @!p0 $0x100000, s0  }
0x80: {  	[sflag:s0] =	ssyncadd.tile.s32 @!p0 $0x1;
	_ =	shalt  }
.Lfunc_end2:
_tile_overlayer_lowered:
.L_overlay_start_2:
0x81: {  	(tag) =	ssettag $0x2  }
0x82: {  	s0 =	rddreg [dreg:$0x0];
	s2 =	stileid.u32  }
0x83: {  	s1 =	rddreg [dreg:$0x1];
	p0 =	sne.s32 s2, $0x0  }
0x84: {  	s3 =	rddreg [dreg:$0x2];
	[bflag:$0x3] =	sbarrier.arrive $0xFFFF;
	s2 =	simm.s32 @!p0 $0x1C09  }
0x85: {  	[timem:s3], [sflag:s2] =	dma.local @!p0 [hbm:s0], s1  }
0x86: {  	s0 =	simm.s32 @!p0 $0x9  }
0x87: {  	_ =	swait.ge @!p0 [sflag:s0], s1  }
0x88: {  	s1 =	ssub.s32 @!p0 $0x0, s1;
	[sflag:s0] =	ssyncset.done @!p0 $0x0  }
0x89: {  	[sflag:s0] =	ssyncadd.s32 @!p0 s1  }
0x8a: {  	[bflag:$0x3] =	sbarrier.arrive $0xFFFF  }
0x8b: {  	_ =	shalt  }

</sc_bundles>
